<compile_context>
chip_gen: v7x
topology: tpu7x:2x2x1
jax: 0.10.2.dev20260603
libtpu: 0.0.44.dev20260713+nightly
codegen_flags: <defaults>
</compile_context>

<pallas_src>
import functools

import jax
import jax.numpy as jnp
from jax import lax
from jax.experimental import pallas as pl
from jax.experimental.pallas import tpu as pltpu
from jax.experimental.pallas import tpu_sc as plsc

_E = 8
_LANES = 16
_NC, _NS = 2, 16


def _f16_bits_to_f32(xi32):
    mag = jnp.left_shift(jnp.bitwise_and(xi32, 0x7FFF), 13)
    f = lax.bitcast_convert_type(mag, jnp.float32)
    f = f * jnp.float32(5.192296858534828e33)
    sign = jnp.left_shift(jnp.bitwise_and(xi32, jnp.int32(0x8000)), 16)
    return lax.bitcast_convert_type(
        jnp.bitwise_or(lax.bitcast_convert_type(f, jnp.int32), sign),
        jnp.float32)


def _round_f32_to_f16_precision(f):
    b = lax.bitcast_convert_type(f, jnp.int32)
    lsb = jnp.bitwise_and(jnp.right_shift(b, 13), 1)
    b = b + 0x0FFF + lsb
    b = jnp.bitwise_and(b, jnp.int32(-0x2000))
    return lax.bitcast_convert_type(b, jnp.float32)


def _gate_logits_body(w_ref, x_ref, out_ref):
    f = _f16_bits_to_f32(x_ref[...].astype(jnp.int32)).astype(jnp.bfloat16)
    logits = lax.dot_general(
        w_ref[...], f,
        dimension_numbers=(((1,), (1,)), ((), ())),
        preferred_element_type=jnp.float32,
    )
    out_ref[...] = _round_f32_to_f16_precision(logits[:_E])


def _gate_logits(x_i16, W16, block_rows):
    n_tokens, hidden = x_i16.shape
    grid = (n_tokens // block_rows,)
    return pl.pallas_call(
        _gate_logits_body,
        grid=grid,
        in_specs=[
            pl.BlockSpec((16, hidden), lambda i: (0, 0)),
            pl.BlockSpec((block_rows, hidden), lambda i: (i, 0)),
        ],
        out_specs=pl.BlockSpec((_E, block_rows), lambda i: (0, i)),
        out_shape=jax.ShapeDtypeStruct((_E, n_tokens), jnp.float32),
    )(W16, x_i16)


def _route_sc(logits_t):
    n_tokens = logits_t.shape[1]
    n_workers = _NC * _NS
    tpw = n_tokens // n_workers
    mesh = plsc.VectorSubcoreMesh(
        core_axis_name="c", subcore_axis_name="s",
        num_cores=_NC, num_subcores=_NS,
    )

    @functools.partial(
        pl.kernel,
        out_type=[
            jax.ShapeDtypeStruct((n_tokens,), jnp.float32),
            jax.ShapeDtypeStruct((n_tokens,), jnp.float32),
            jax.ShapeDtypeStruct((n_tokens,), jnp.int32),
            jax.ShapeDtypeStruct((n_tokens,), jnp.int32),
        ],
        mesh=mesh,
        scratch_types=[
            pltpu.VMEM((_E, tpw), jnp.float32),
            pltpu.VMEM((tpw,), jnp.float32),
            pltpu.VMEM((tpw,), jnp.float32),
            pltpu.VMEM((tpw,), jnp.int32),
            pltpu.VMEM((tpw,), jnp.int32),
        ],
    )
    def route(lt_hbm, w1_hbm, w2_hbm, i1_hbm, i2_hbm,
              lt_v, w1_v, w2_v, i1_v, i2_v):
        wid = lax.axis_index("s") * _NC + lax.axis_index("c")
        base = wid * tpw
        pltpu.sync_copy(lt_hbm.at[:, pl.ds(base, tpw)], lt_v)

        def body(g, _):
            off = g * _LANES
            neg_inf = jnp.full((_LANES,), -jnp.inf, jnp.float32)
            zero_i = jnp.zeros((_LANES,), jnp.int32)
            m1, i1 = neg_inf, zero_i
            m2, i2 = neg_inf, zero_i
            for e in range(_E):
                le = lt_v[e, pl.ds(off, _LANES)]
                gt1 = le > m1
                lo = jnp.minimum(le, m1)
                lo_i = jnp.where(gt1, i1, e)
                m1 = jnp.maximum(le, m1)
                i1 = jnp.where(gt1, e, i1)
                gt2 = lo > m2
                m2 = jnp.where(gt2, lo, m2)
                i2 = jnp.where(gt2, lo_i, i2)
            ed = jnp.exp(m2 - m1)
            s = 1.0 / (1.0 + ed)
            w1_v[pl.ds(off, _LANES)] = s
            w2_v[pl.ds(off, _LANES)] = ed * s
            i1_v[pl.ds(off, _LANES)] = i1
            i2_v[pl.ds(off, _LANES)] = i2
            return 0

        lax.fori_loop(0, tpw // _LANES, body, 0)
        pltpu.sync_copy(w1_v, w1_hbm.at[pl.ds(base, tpw)])
        pltpu.sync_copy(w2_v, w2_hbm.at[pl.ds(base, tpw)])
        pltpu.sync_copy(i1_v, i1_hbm.at[pl.ds(base, tpw)])
        pltpu.sync_copy(i2_v, i2_hbm.at[pl.ds(base, tpw)])

    return route(logits_t)


def kernel(x, W):
    n_tokens = x.shape[0]
    block_rows = 2048 if n_tokens % 2048 == 0 else n_tokens
    x_i16 = lax.bitcast_convert_type(x, jnp.int16)
    W16 = jnp.pad(W.astype(jnp.bfloat16), ((0, 16 - _E), (0, 0)))
    logits_t = _gate_logits(x_i16, W16, block_rows)
    w1, w2, i1, i2 = _route_sc(logits_t)
    topk_weights = jnp.stack([w1, w2], axis=-1).astype(x.dtype)
    topk_indices = jnp.stack([i1, i2], axis=-1)
    return (topk_weights, topk_indices)

# --- scband reference (transcript-rebuilt; emitter-appended) ---
"""Pipeline reference for scband-simple-mo-erouter-44547400794423 (READ-ONLY COPY).

The authoritative reference and input builder live on the scoring server;
editing this copy changes nothing except your own understanding.
"""

import jax, jax.numpy as jnp
import numpy as np

TOP_K = 2

def setup_inputs(seed: int = 0) -> dict:
    key = jax.random.key(seed)
    kx, kw = jax.random.split(key)
    x = jax.random.normal(kx, (32768, 768), dtype=jnp.float32).astype(jnp.float16)
    # gate: nn.Linear(hidden_size=768, num_experts=8, bias=False), weight shape [E, H]
    W = (jax.random.normal(kw, (8, 768), dtype=jnp.float32) * 0.02).astype(jnp.float16)
    return {"x": x, "W": W}

def reference(x, W):
    # logits = gate(x) in fp16
    logits = jnp.dot(x, W.T)
    # softmax computed in float32 (dtype=torch.float32 in F.softmax)
    probs = jax.nn.softmax(logits.astype(jnp.float32), axis=-1)
    topk_weights, topk_indices = jax.lax.top_k(probs, TOP_K)
    # normalize=True
    topk_weights = topk_weights / jnp.sum(topk_weights, axis=-1, keepdims=True)
    topk_weights = topk_weights.astype(x.dtype)
    return (topk_weights, topk_indices)

if __name__ == "__main__":
    import jax
    _d = setup_inputs()
    print(jax.jit(kernel)(*tuple(_d.values())))

</pallas_src>

<mosaic_0001>
#map = affine_map<(d0, d1) -> (0, 0)>
#map1 = affine_map<(d0, d1) -> (0)>
module attributes {stable_mosaic.version = 14 : i64} {
  func.func @route(%arg0: i32, %arg1: i32, %arg2: memref<8x32768xf32, #tpu.memory_space<hbm>>, %arg3: memref<32768xf32, #tpu.memory_space<hbm>>, %arg4: memref<32768xf32, #tpu.memory_space<hbm>>, %arg5: memref<32768xi32, #tpu.memory_space<hbm>>, %arg6: memref<32768xi32, #tpu.memory_space<hbm>>, %arg7: memref<8x1024xf32, #tpu.memory_space<vmem>>, %arg8: memref<1024xf32, #tpu.memory_space<vmem>>, %arg9: memref<1024xf32, #tpu.memory_space<vmem>>, %arg10: memref<1024xi32, #tpu.memory_space<vmem>>, %arg11: memref<1024xi32, #tpu.memory_space<vmem>>) attributes {dimension_semantics = [#tpu.dimension_semantics<core_parallel>, #tpu.dimension_semantics<subcore_parallel>], iteration_bounds = array<i64: 2, 16>, scalar_prefetch = 0 : i64, scratch_operands = 5 : i64, tpu.core_type = #tpu.core_type<sc_vector_subcore>, window_params = [{transform_indices = #map}, {transform_indices = #map1}, {transform_indices = #map1}, {transform_indices = #map1}, {transform_indices = #map1}]} {
    %mul3A = arith.constant 2 : i32
    %mul3A_0 = arith.muli %arg1, %mul3A : i32
    %add3A = arith.addi %mul3A_0, %arg0 : i32
    %mul3A_1 = arith.constant 1024 : i32
    %mul3A_2 = arith.muli %add3A, %mul3A_1 : i32
    "tpu.region"() ({
      %run_scoped3A = tpu.sem_alloc : memref<!tpu.dma_semaphore, #tpu.memory_space<semaphore_mem>>
      %dma_start3A = arith.constant 0 : i32
      %dma_start3A_9 = tpu.memref_slice %arg2[%dma_start3A, %mul3A_2] : memref<8x32768xf32, #tpu.memory_space<hbm>> -> memref<8x1024xf32, #tpu.memory_space<hbm>>
      %dma_start3A_10 = arith.constant 0 : i32
      %dma_start3A_11 = tpu.memref_slice %arg2[%dma_start3A_10, %mul3A_2] : memref<8x32768xf32, #tpu.memory_space<hbm>> -> memref<8x1024xf32, #tpu.memory_space<hbm>>
      tpu.enqueue_dma source(%dma_start3A_11 : memref<8x1024xf32, #tpu.memory_space<hbm>>) target(%arg7 : memref<8x1024xf32, #tpu.memory_space<vmem>>) target_semaphore(%run_scoped3A : memref<!tpu.dma_semaphore, #tpu.memory_space<semaphore_mem>>)
      %dma_wait3A = arith.constant 0 : i32
      %dma_wait3A_12 = tpu.memref_slice %arg2[%dma_wait3A, %mul3A_2] : memref<8x32768xf32, #tpu.memory_space<hbm>> -> memref<8x1024xf32, #tpu.memory_space<hbm>>
      %dma_wait3A_13 = arith.constant 0 : i32
      %dma_wait3A_14 = tpu.memref_slice %arg2[%dma_wait3A_13, %mul3A_2] : memref<8x32768xf32, #tpu.memory_space<hbm>> -> memref<8x1024xf32, #tpu.memory_space<hbm>>
      tpu.wait_dma2 semaphore(%run_scoped3A : memref<!tpu.dma_semaphore, #tpu.memory_space<semaphore_mem>>) src(%dma_wait3A_14 : memref<8x1024xf32, #tpu.memory_space<hbm>>) dst(%arg7 : memref<8x1024xf32, #tpu.memory_space<vmem>>)
      tpu.yield
    }) : () -> ()
    %scan3A = arith.constant 0 : i32
    %scan3A_3 = arith.constant 0 : i32
    %scan3A_4 = arith.constant 64 : i32
    %scan3A_5 = arith.addi %scan3A_3, %scan3A_4 : i32
    %scan3A_6 = arith.constant 1 : i32
    %scan3A_7 = scf.for %scan3A_9 = %scan3A_3 to %scan3A_5 step %scan3A_6 iter_args(%scan3A_10 = %scan3A) -> (i32)  : i32 {
      %mul3A_11 = arith.constant 16 : i32
      %mul3A_12 = arith.muli %scan3A_9, %mul3A_11 : i32
      %broadcast_in_dim3A = arith.constant 0xFF800000 : f32
      %broadcast_in_dim3A_13 = vector.broadcast %broadcast_in_dim3A : f32 to vector<16xf32>
      %broadcast_in_dim3A_14 = arith.constant 0 : i32
      %broadcast_in_dim3A_15 = vector.broadcast %broadcast_in_dim3A_14 : i32 to vector<16xi32>
      %get3A = arith.constant 0 : i32
      %get3A_16 = arith.index_cast %get3A : i32 to index
      %get3A_17 = arith.index_cast %mul3A_12 : i32 to index
      %get3A_18 = tpu.vector_load %arg7[%get3A_16, %get3A_17] {strides = array<i32>} : memref<8x1024xf32, #tpu.memory_space<vmem>>, vector<1x16xf32>,
      %get3A_19 = vector.shape_cast %get3A_18 : vector<1x16xf32> to vector<16xf32>
      %gt3A = arith.cmpf ogt, %get3A_19, %broadcast_in_dim3A_13 : vector<16xf32>
      %min3A = arith.minimumf %get3A_19, %broadcast_in_dim3A_13 : vector<16xf32>
      %jit3A = arith.constant 0 : i32
      %broadcast_in_dim3A_20 = vector.broadcast %jit3A : i32 to vector<16xi32>
      %select_n3A = arith.select %gt3A, %broadcast_in_dim3A_15, %broadcast_in_dim3A_20 : vector<16xi1>, vector<16xi32>
      %max3A = arith.maximumf %get3A_19, %broadcast_in_dim3A_13 : vector<16xf32>
      %jit3A_21 = arith.constant 0 : i32
      %broadcast_in_dim3A_22 = vector.broadcast %jit3A_21 : i32 to vector<16xi32>
      %select_n3A_23 = arith.select %gt3A, %broadcast_in_dim3A_22, %broadcast_in_dim3A_15 : vector<16xi1>, vector<16xi32>
      %gt3A_24 = arith.cmpf ogt, %min3A, %broadcast_in_dim3A_13 : vector<16xf32>
      %select_n3A_25 = arith.select %gt3A_24, %min3A, %broadcast_in_dim3A_13 : vector<16xi1>, vector<16xf32>
      %select_n3A_26 = arith.select %gt3A_24, %select_n3A, %broadcast_in_dim3A_15 : vector<16xi1>, vector<16xi32>
      %get3A_27 = arith.constant 1 : i32
      %get3A_28 = arith.index_cast %get3A_27 : i32 to index
      %get3A_29 = arith.index_cast %mul3A_12 : i32 to index
      %get3A_30 = tpu.vector_load %arg7[%get3A_28, %get3A_29] {strides = array<i32>} : memref<8x1024xf32, #tpu.memory_space<vmem>>, vector<1x16xf32>,
      %get3A_31 = vector.shape_cast %get3A_30 : vector<1x16xf32> to vector<16xf32>
      %gt3A_32 = arith.cmpf ogt, %get3A_31, %max3A : vector<16xf32>
      %min3A_33 = arith.minimumf %get3A_31, %max3A : vector<16xf32>
      %jit3A_34 = arith.constant 1 : i32
      %broadcast_in_dim3A_35 = vector.broadcast %jit3A_34 : i32 to vector<16xi32>
      %select_n3A_36 = arith.select %gt3A_32, %select_n3A_23, %broadcast_in_dim3A_35 : vector<16xi1>, vector<16xi32>
      %max3A_37 = arith.maximumf %get3A_31, %max3A : vector<16xf32>
      %jit3A_38 = arith.constant 1 : i32
      %broadcast_in_dim3A_39 = vector.broadcast %jit3A_38 : i32 to vector<16xi32>
      %select_n3A_40 = arith.select %gt3A_32, %broadcast_in_dim3A_39, %select_n3A_23 : vector<16xi1>, vector<16xi32>
      %gt3A_41 = arith.cmpf ogt, %min3A_33, %select_n3A_25 : vector<16xf32>
      %select_n3A_42 = arith.select %gt3A_41, %min3A_33, %select_n3A_25 : vector<16xi1>, vector<16xf32>
      %select_n3A_43 = arith.select %gt3A_41, %select_n3A_36, %select_n3A_26 : vector<16xi1>, vector<16xi32>
      %get3A_44 = arith.constant 2 : i32
      %get3A_45 = arith.index_cast %get3A_44 : i32 to index
      %get3A_46 = arith.index_cast %mul3A_12 : i32 to index
      %get3A_47 = tpu.vector_load %arg7[%get3A_45, %get3A_46] {strides = array<i32>} : memref<8x1024xf32, #tpu.memory_space<vmem>>, vector<1x16xf32>,
      %get3A_48 = vector.shape_cast %get3A_47 : vector<1x16xf32> to vector<16xf32>
      %gt3A_49 = arith.cmpf ogt, %get3A_48, %max3A_37 : vector<16xf32>
      %min3A_50 = arith.minimumf %get3A_48, %max3A_37 : vector<16xf32>
      %jit3A_51 = arith.constant 2 : i32
      %broadcast_in_dim3A_52 = vector.broadcast %jit3A_51 : i32 to vector<16xi32>
      %select_n3A_53 = arith.select %gt3A_49, %select_n3A_40, %broadcast_in_dim3A_52 : vector<16xi1>, vector<16xi32>
      %max3A_54 = arith.maximumf %get3A_48, %max3A_37 : vector<16xf32>
      %jit3A_55 = arith.constant 2 : i32
      %broadcast_in_dim3A_56 = vector.broadcast %jit3A_55 : i32 to vector<16xi32>
      %select_n3A_57 = arith.select %gt3A_49, %broadcast_in_dim3A_56, %select_n3A_40 : vector<16xi1>, vector<16xi32>
      %gt3A_58 = arith.cmpf ogt, %min3A_50, %select_n3A_42 : vector<16xf32>
      %select_n3A_59 = arith.select %gt3A_58, %min3A_50, %select_n3A_42 : vector<16xi1>, vector<16xf32>
      %select_n3A_60 = arith.select %gt3A_58, %select_n3A_53, %select_n3A_43 : vector<16xi1>, vector<16xi32>
      %get3A_61 = arith.constant 3 : i32
      %get3A_62 = arith.index_cast %get3A_61 : i32 to index
      %get3A_63 = arith.index_cast %mul3A_12 : i32 to index
      %get3A_64 = tpu.vector_load %arg7[%get3A_62, %get3A_63] {strides = array<i32>} : memref<8x1024xf32, #tpu.memory_space<vmem>>, vector<1x16xf32>,
      %get3A_65 = vector.shape_cast %get3A_64 : vector<1x16xf32> to vector<16xf32>
      %gt3A_66 = arith.cmpf ogt, %get3A_65, %max3A_54 : vector<16xf32>
      %min3A_67 = arith.minimumf %get3A_65, %max3A_54 : vector<16xf32>
      %jit3A_68 = arith.constant 3 : i32
      %broadcast_in_dim3A_69 = vector.broadcast %jit3A_68 : i32 to vector<16xi32>
      %select_n3A_70 = arith.select %gt3A_66, %select_n3A_57, %broadcast_in_dim3A_69 : vector<16xi1>, vector<16xi32>
      %max3A_71 = arith.maximumf %get3A_65, %max3A_54 : vector<16xf32>
      %jit3A_72 = arith.constant 3 : i32
      %broadcast_in_dim3A_73 = vector.broadcast %jit3A_72 : i32 to vector<16xi32>
      %select_n3A_74 = arith.select %gt3A_66, %broadcast_in_dim3A_73, %select_n3A_57 : vector<16xi1>, vector<16xi32>
      %gt3A_75 = arith.cmpf ogt, %min3A_67, %select_n3A_59 : vector<16xf32>
      %select_n3A_76 = arith.select %gt3A_75, %min3A_67, %select_n3A_59 : vector<16xi1>, vector<16xf32>
      %select_n3A_77 = arith.select %gt3A_75, %select_n3A_70, %select_n3A_60 : vector<16xi1>, vector<16xi32>
      %get3A_78 = arith.constant 4 : i32
      %get3A_79 = arith.index_cast %get3A_78 : i32 to index
      %get3A_80 = arith.index_cast %mul3A_12 : i32 to index
      %get3A_81 = tpu.vector_load %arg7[%get3A_79, %get3A_80] {strides = array<i32>} : memref<8x1024xf32, #tpu.memory_space<vmem>>, vector<1x16xf32>,
      %get3A_82 = vector.shape_cast %get3A_81 : vector<1x16xf32> to vector<16xf32>
      %gt3A_83 = arith.cmpf ogt, %get3A_82, %max3A_71 : vector<16xf32>
      %min3A_84 = arith.minimumf %get3A_82, %max3A_71 : vector<16xf32>
      %jit3A_85 = arith.constant 4 : i32
      %broadcast_in_dim3A_86 = vector.broadcast %jit3A_85 : i32 to vector<16xi32>
      %select_n3A_87 = arith.select %gt3A_83, %select_n3A_74, %broadcast_in_dim3A_86 : vector<16xi1>, vector<16xi32>
      %max3A_88 = arith.maximumf %get3A_82, %max3A_71 : vector<16xf32>
      %jit3A_89 = arith.constant 4 : i32
      %broadcast_in_dim3A_90 = vector.broadcast %jit3A_89 : i32 to vector<16xi32>
      %select_n3A_91 = arith.select %gt3A_83, %broadcast_in_dim3A_90, %select_n3A_74 : vector<16xi1>, vector<16xi32>
      %gt3A_92 = arith.cmpf ogt, %min3A_84, %select_n3A_76 : vector<16xf32>
      %select_n3A_93 = arith.select %gt3A_92, %min3A_84, %select_n3A_76 : vector<16xi1>, vector<16xf32>
      %select_n3A_94 = arith.select %gt3A_92, %select_n3A_87, %select_n3A_77 : vector<16xi1>, vector<16xi32>
      %get3A_95 = arith.constant 5 : i32
      %get3A_96 = arith.index_cast %get3A_95 : i32 to index
      %get3A_97 = arith.index_cast %mul3A_12 : i32 to index
      %get3A_98 = tpu.vector_load %arg7[%get3A_96, %get3A_97] {strides = array<i32>} : memref<8x1024xf32, #tpu.memory_space<vmem>>, vector<1x16xf32>,
      %get3A_99 = vector.shape_cast %get3A_98 : vector<1x16xf32> to vector<16xf32>
      %gt3A_100 = arith.cmpf ogt, %get3A_99, %max3A_88 : vector<16xf32>
      %min3A_101 = arith.minimumf %get3A_99, %max3A_88 : vector<16xf32>
      %jit3A_102 = arith.constant 5 : i32
      %broadcast_in_dim3A_103 = vector.broadcast %jit3A_102 : i32 to vector<16xi32>
      %select_n3A_104 = arith.select %gt3A_100, %select_n3A_91, %broadcast_in_dim3A_103 : vector<16xi1>, vector<16xi32>
      %max3A_105 = arith.maximumf %get3A_99, %max3A_88 : vector<16xf32>
      %jit3A_106 = arith.constant 5 : i32
      %broadcast_in_dim3A_107 = vector.broadcast %jit3A_106 : i32 to vector<16xi32>
      %select_n3A_108 = arith.select %gt3A_100, %broadcast_in_dim3A_107, %select_n3A_91 : vector<16xi1>, vector<16xi32>
      %gt3A_109 = arith.cmpf ogt, %min3A_101, %select_n3A_93 : vector<16xf32>
      %select_n3A_110 = arith.select %gt3A_109, %min3A_101, %select_n3A_93 : vector<16xi1>, vector<16xf32>
      %select_n3A_111 = arith.select %gt3A_109, %select_n3A_104, %select_n3A_94 : vector<16xi1>, vector<16xi32>
      %get3A_112 = arith.constant 6 : i32
      %get3A_113 = arith.index_cast %get3A_112 : i32 to index
      %get3A_114 = arith.index_cast %mul3A_12 : i32 to index
      %get3A_115 = tpu.vector_load %arg7[%get3A_113, %get3A_114] {strides = array<i32>} : memref<8x1024xf32, #tpu.memory_space<vmem>>, vector<1x16xf32>,
      %get3A_116 = vector.shape_cast %get3A_115 : vector<1x16xf32> to vector<16xf32>
      %gt3A_117 = arith.cmpf ogt, %get3A_116, %max3A_105 : vector<16xf32>
      %min3A_118 = arith.minimumf %get3A_116, %max3A_105 : vector<16xf32>
      %jit3A_119 = arith.constant 6 : i32
      %broadcast_in_dim3A_120 = vector.broadcast %jit3A_119 : i32 to vector<16xi32>
      %select_n3A_121 = arith.select %gt3A_117, %select_n3A_108, %broadcast_in_dim3A_120 : vector<16xi1>, vector<16xi32>
      %max3A_122 = arith.maximumf %get3A_116, %max3A_105 : vector<16xf32>
      %jit3A_123 = arith.constant 6 : i32
      %broadcast_in_dim3A_124 = vector.broadcast %jit3A_123 : i32 to vector<16xi32>
      %select_n3A_125 = arith.select %gt3A_117, %broadcast_in_dim3A_124, %select_n3A_108 : vector<16xi1>, vector<16xi32>
      %gt3A_126 = arith.cmpf ogt, %min3A_118, %select_n3A_110 : vector<16xf32>
      %select_n3A_127 = arith.select %gt3A_126, %min3A_118, %select_n3A_110 : vector<16xi1>, vector<16xf32>
      %select_n3A_128 = arith.select %gt3A_126, %select_n3A_121, %select_n3A_111 : vector<16xi1>, vector<16xi32>
      %get3A_129 = arith.constant 7 : i32
      %get3A_130 = arith.index_cast %get3A_129 : i32 to index
      %get3A_131 = arith.index_cast %mul3A_12 : i32 to index
      %get3A_132 = tpu.vector_load %arg7[%get3A_130, %get3A_131] {strides = array<i32>} : memref<8x1024xf32, #tpu.memory_space<vmem>>, vector<1x16xf32>,
      %get3A_133 = vector.shape_cast %get3A_132 : vector<1x16xf32> to vector<16xf32>
      %gt3A_134 = arith.cmpf ogt, %get3A_133, %max3A_122 : vector<16xf32>
      %min3A_135 = arith.minimumf %get3A_133, %max3A_122 : vector<16xf32>
      %jit3A_136 = arith.constant 7 : i32
      %broadcast_in_dim3A_137 = vector.broadcast %jit3A_136 : i32 to vector<16xi32>
      %select_n3A_138 = arith.select %gt3A_134, %select_n3A_125, %broadcast_in_dim3A_137 : vector<16xi1>, vector<16xi32>
      %max3A_139 = arith.maximumf %get3A_133, %max3A_122 : vector<16xf32>
      %jit3A_140 = arith.constant 7 : i32
      %broadcast_in_dim3A_141 = vector.broadcast %jit3A_140 : i32 to vector<16xi32>
      %select_n3A_142 = arith.select %gt3A_134, %broadcast_in_dim3A_141, %select_n3A_125 : vector<16xi1>, vector<16xi32>
      %gt3A_143 = arith.cmpf ogt, %min3A_135, %select_n3A_127 : vector<16xf32>
      %select_n3A_144 = arith.select %gt3A_143, %min3A_135, %select_n3A_127 : vector<16xi1>, vector<16xf32>
      %select_n3A_145 = arith.select %gt3A_143, %select_n3A_138, %select_n3A_128 : vector<16xi1>, vector<16xi32>
      %sub3A = arith.subf %select_n3A_144, %max3A_139 : vector<16xf32>
      %exp3A = math.exp %sub3A : vector<16xf32>
      %add3A_146 = arith.constant 1.000000e+00 : f32
      %add3A_147 = vector.broadcast %add3A_146 : f32 to vector<16xf32>
      %add3A_148 = arith.addf %add3A_147, %exp3A : vector<16xf32>
      %div3A = arith.constant 1.000000e+00 : f32
      %div3A_149 = vector.broadcast %div3A : f32 to vector<16xf32>
      %div3A_150 = arith.divf %div3A_149, %add3A_148 : vector<16xf32>
      %swap3A = arith.index_cast %mul3A_12 : i32 to index
      %swap3A_151 = tpu.vector_load %arg8[%swap3A] {strides = array<i32>} : memref<1024xf32, #tpu.memory_space<vmem>>, vector<16xf32>,
      %swap3A_152 = vector.shape_cast %swap3A_151 : vector<16xf32> to vector<16xf32>
      %swap3A_153 = vector.shape_cast %div3A_150 : vector<16xf32> to vector<16xf32>
      tpu.vector_store %arg8[%swap3A], %swap3A_153 {strides = array<i32>} : memref<1024xf32, #tpu.memory_space<vmem>>, vector<16xf32>,
      %mul3A_154 = arith.mulf %exp3A, %div3A_150 : vector<16xf32>
      %swap3A_155 = arith.index_cast %mul3A_12 : i32 to index
      %swap3A_156 = tpu.vector_load %arg9[%swap3A_155] {strides = array<i32>} : memref<1024xf32, #tpu.memory_space<vmem>>, vector<16xf32>,
      %swap3A_157 = vector.shape_cast %swap3A_156 : vector<16xf32> to vector<16xf32>
      %swap3A_158 = vector.shape_cast %mul3A_154 : vector<16xf32> to vector<16xf32>
      tpu.vector_store %arg9[%swap3A_155], %swap3A_158 {strides = array<i32>} : memref<1024xf32, #tpu.memory_space<vmem>>, vector<16xf32>,
      %swap3A_159 = arith.index_cast %mul3A_12 : i32 to index
      %swap3A_160 = tpu.vector_load %arg10[%swap3A_159] {strides = array<i32>} : memref<1024xi32, #tpu.memory_space<vmem>>, vector<16xi32>,
      %swap3A_161 = vector.shape_cast %swap3A_160 : vector<16xi32> to vector<16xi32>
      %swap3A_162 = vector.shape_cast %select_n3A_142 : vector<16xi32> to vector<16xi32>
      tpu.vector_store %arg10[%swap3A_159], %swap3A_162 {strides = array<i32>} : memref<1024xi32, #tpu.memory_space<vmem>>, vector<16xi32>,
      %swap3A_163 = arith.index_cast %mul3A_12 : i32 to index
      %swap3A_164 = tpu.vector_load %arg11[%swap3A_163] {strides = array<i32>} : memref<1024xi32, #tpu.memory_space<vmem>>, vector<16xi32>,
      %swap3A_165 = vector.shape_cast %swap3A_164 : vector<16xi32> to vector<16xi32>
      %swap3A_166 = vector.shape_cast %select_n3A_145 : vector<16xi32> to vector<16xi32>
      tpu.vector_store %arg11[%swap3A_163], %swap3A_166 {strides = array<i32>} : memref<1024xi32, #tpu.memory_space<vmem>>, vector<16xi32>,
      %scan3A_167 = arith.constant 0 : i32
      scf.yield %scan3A_167 : i32
    }
    %scan3A_8 = arith.constant 64 : i32
    "tpu.region"() ({
      %run_scoped3A = tpu.sem_alloc : memref<!tpu.dma_semaphore, #tpu.memory_space<semaphore_mem>>
      %dma_start3A = tpu.memref_slice %arg3[%mul3A_2] : memref<32768xf32, #tpu.memory_space<hbm>> -> memref<1024xf32, #tpu.memory_space<hbm>>
      %dma_start3A_9 = tpu.memref_slice %arg3[%mul3A_2] : memref<32768xf32, #tpu.memory_space<hbm>> -> memref<1024xf32, #tpu.memory_space<hbm>>
      tpu.enqueue_dma source(%arg8 : memref<1024xf32, #tpu.memory_space<vmem>>) target(%dma_start3A_9 : memref<1024xf32, #tpu.memory_space<hbm>>) target_semaphore(%run_scoped3A : memref<!tpu.dma_semaphore, #tpu.memory_space<semaphore_mem>>)
      %dma_wait3A = tpu.memref_slice %arg3[%mul3A_2] : memref<32768xf32, #tpu.memory_space<hbm>> -> memref<1024xf32, #tpu.memory_space<hbm>>
      %dma_wait3A_10 = tpu.memref_slice %arg3[%mul3A_2] : memref<32768xf32, #tpu.memory_space<hbm>> -> memref<1024xf32, #tpu.memory_space<hbm>>
      tpu.wait_dma2 semaphore(%run_scoped3A : memref<!tpu.dma_semaphore, #tpu.memory_space<semaphore_mem>>) src(%arg8 : memref<1024xf32, #tpu.memory_space<vmem>>) dst(%dma_wait3A_10 : memref<1024xf32, #tpu.memory_space<hbm>>)
      tpu.yield
    }) : () -> ()
    "tpu.region"() ({
      %run_scoped3A = tpu.sem_alloc : memref<!tpu.dma_semaphore, #tpu.memory_space<semaphore_mem>>
      %dma_start3A = tpu.memref_slice %arg4[%mul3A_2] : memref<32768xf32, #tpu.memory_space<hbm>> -> memref<1024xf32, #tpu.memory_space<hbm>>
      %dma_start3A_9 = tpu.memref_slice %arg4[%mul3A_2] : memref<32768xf32, #tpu.memory_space<hbm>> -> memref<1024xf32, #tpu.memory_space<hbm>>
      tpu.enqueue_dma source(%arg9 : memref<1024xf32, #tpu.memory_space<vmem>>) target(%dma_start3A_9 : memref<1024xf32, #tpu.memory_space<hbm>>) target_semaphore(%run_scoped3A : memref<!tpu.dma_semaphore, #tpu.memory_space<semaphore_mem>>)
      %dma_wait3A = tpu.memref_slice %arg4[%mul3A_2] : memref<32768xf32, #tpu.memory_space<hbm>> -> memref<1024xf32, #tpu.memory_space<hbm>>
      %dma_wait3A_10 = tpu.memref_slice %arg4[%mul3A_2] : memref<32768xf32, #tpu.memory_space<hbm>> -> memref<1024xf32, #tpu.memory_space<hbm>>
      tpu.wait_dma2 semaphore(%run_scoped3A : memref<!tpu.dma_semaphore, #tpu.memory_space<semaphore_mem>>) src(%arg9 : memref<1024xf32, #tpu.memory_space<vmem>>) dst(%dma_wait3A_10 : memref<1024xf32, #tpu.memory_space<hbm>>)
      tpu.yield
    }) : () -> ()
    "tpu.region"() ({
      %run_scoped3A = tpu.sem_alloc : memref<!tpu.dma_semaphore, #tpu.memory_space<semaphore_mem>>
      %dma_start3A = tpu.memref_slice %arg5[%mul3A_2] : memref<32768xi32, #tpu.memory_space<hbm>> -> memref<1024xi32, #tpu.memory_space<hbm>>
      %dma_start3A_9 = tpu.memref_slice %arg5[%mul3A_2] : memref<32768xi32, #tpu.memory_space<hbm>> -> memref<1024xi32, #tpu.memory_space<hbm>>
      tpu.enqueue_dma source(%arg10 : memref<1024xi32, #tpu.memory_space<vmem>>) target(%dma_start3A_9 : memref<1024xi32, #tpu.memory_space<hbm>>) target_semaphore(%run_scoped3A : memref<!tpu.dma_semaphore, #tpu.memory_space<semaphore_mem>>)
      %dma_wait3A = tpu.memref_slice %arg5[%mul3A_2] : memref<32768xi32, #tpu.memory_space<hbm>> -> memref<1024xi32, #tpu.memory_space<hbm>>
      %dma_wait3A_10 = tpu.memref_slice %arg5[%mul3A_2] : memref<32768xi32, #tpu.memory_space<hbm>> -> memref<1024xi32, #tpu.memory_space<hbm>>
      tpu.wait_dma2 semaphore(%run_scoped3A : memref<!tpu.dma_semaphore, #tpu.memory_space<semaphore_mem>>) src(%arg10 : memref<1024xi32, #tpu.memory_space<vmem>>) dst(%dma_wait3A_10 : memref<1024xi32, #tpu.memory_space<hbm>>)
      tpu.yield
    }) : () -> ()
    "tpu.region"() ({
      %run_scoped3A = tpu.sem_alloc : memref<!tpu.dma_semaphore, #tpu.memory_space<semaphore_mem>>
      %dma_start3A = tpu.memref_slice %arg6[%mul3A_2] : memref<32768xi32, #tpu.memory_space<hbm>> -> memref<1024xi32, #tpu.memory_space<hbm>>
      %dma_start3A_9 = tpu.memref_slice %arg6[%mul3A_2] : memref<32768xi32, #tpu.memory_space<hbm>> -> memref<1024xi32, #tpu.memory_space<hbm>>
      tpu.enqueue_dma source(%arg11 : memref<1024xi32, #tpu.memory_space<vmem>>) target(%dma_start3A_9 : memref<1024xi32, #tpu.memory_space<hbm>>) target_semaphore(%run_scoped3A : memref<!tpu.dma_semaphore, #tpu.memory_space<semaphore_mem>>)
      %dma_wait3A = tpu.memref_slice %arg6[%mul3A_2] : memref<32768xi32, #tpu.memory_space<hbm>> -> memref<1024xi32, #tpu.memory_space<hbm>>
      %dma_wait3A_10 = tpu.memref_slice %arg6[%mul3A_2] : memref<32768xi32, #tpu.memory_space<hbm>> -> memref<1024xi32, #tpu.memory_space<hbm>>
      tpu.wait_dma2 semaphore(%run_scoped3A : memref<!tpu.dma_semaphore, #tpu.memory_space<semaphore_mem>>) src(%arg11 : memref<1024xi32, #tpu.memory_space<vmem>>) dst(%dma_wait3A_10 : memref<1024xi32, #tpu.memory_space<hbm>>)
      tpu.yield
    }) : () -> ()
    return
  }
}

module attributes {stable_mosaic.version = 14 : i64} {
  func.func @_gate_logits_body(%arg0: i32, %arg1: memref<16x768xbf16, #tpu.memory_space<vmem>>, %arg2: memref<2048x768xi16, #tpu.memory_space<vmem>>, %arg3: memref<8x2048xf32, #tpu.memory_space<vmem>>) attributes {dimension_semantics = [#tpu.dimension_semantics<arbitrary>], iteration_bounds = array<i64: 16>, scalar_prefetch = 0 : i64, scratch_operands = 0 : i64, tpu.core_type = #tpu.core_type<tc>, window_params = [{pipeline_mode = #tpu.pipeline_mode<synchronous>, transform_indices = @transform_0, window_bounds = array<i64: 16, 768>}, {transform_indices = @transform_1, window_bounds = array<i64: 2048, 768>}, {transform_indices = @transform_2, window_bounds = array<i64: 8, 2048>}]} {
    %get3A = arith.constant 0 : index
    %get3A_0 = arith.constant 0 : index
    %get3A_1 = vector.load %arg2[%get3A, %get3A_0] : memref<2048x768xi16, #tpu.memory_space<vmem>>, vector<2048x768xi16>
    %convert_element_type3A = arith.extsi %get3A_1 : vector<2048x768xi16> to vector<2048x768xi32>
    %and3A = arith.constant 32767 : i32
    %and3A_2 = vector.broadcast %and3A : i32 to vector<2048x768xi32>
    %and3A_3 = arith.andi %convert_element_type3A, %and3A_2 : vector<2048x768xi32>
    %shift_left3A = arith.constant 13 : i32
    %shift_left3A_4 = vector.broadcast %shift_left3A : i32 to vector<2048x768xi32>
    %shift_left3A_5 = arith.shli %and3A_3, %shift_left3A_4 : vector<2048x768xi32>
    %bitcast_convert_type3A = tpu.bitcast %shift_left3A_5 : vector<2048x768xi32> -> vector<2048x768xf32>
    %mul3A = arith.constant 5.19229686E+33 : f32
    %mul3A_6 = vector.broadcast %mul3A : f32 to vector<2048x768xf32>
    %mul3A_7 = arith.mulf %bitcast_convert_type3A, %mul3A_6 : vector<2048x768xf32>
    %and3A_8 = arith.constant 32768 : i32
    %and3A_9 = vector.broadcast %and3A_8 : i32 to vector<2048x768xi32>
    %and3A_10 = arith.andi %convert_element_type3A, %and3A_9 : vector<2048x768xi32>
    %shift_left3A_11 = arith.constant 16 : i32
    %shift_left3A_12 = vector.broadcast %shift_left3A_11 : i32 to vector<2048x768xi32>
    %shift_left3A_13 = arith.shli %and3A_10, %shift_left3A_12 : vector<2048x768xi32>
    %bitcast_convert_type3A_14 = tpu.bitcast %mul3A_7 : vector<2048x768xf32> -> vector<2048x768xi32>
    %or3A = arith.ori %bitcast_convert_type3A_14, %shift_left3A_13 : vector<2048x768xi32>
    %bitcast_convert_type3A_15 = tpu.bitcast %or3A : vector<2048x768xi32> -> vector<2048x768xf32>
    %convert_element_type3A_16 = arith.truncf %bitcast_convert_type3A_15 : vector<2048x768xf32> to vector<2048x768xbf16>
    %get3A_17 = arith.constant 0 : index
    %get3A_18 = arith.constant 0 : index
    %get3A_19 = vector.load %arg1[%get3A_17, %get3A_18] : memref<16x768xbf16, #tpu.memory_space<vmem>>, vector<16x768xbf16>
    %dot_general3A = arith.constant dense<0.000000e+00> : vector<16x2048xf32>
    %dot_general3A_20 = tpu.matmul %get3A_19, %convert_element_type3A_16, %dot_general3A {dimension_numbers = #tpu.dot_dimension_numbers<[1], [1], [0], [0], [0, 0, 1, 0], [], []>, transpose_lhs_hint = false} : vector<16x768xbf16>, vector<2048x768xbf16>, vector<16x2048xf32> -> vector<16x2048xf32>
    %slice3A = vector.extract_strided_slice %dot_general3A_20 {offsets = [0, 0], sizes = [8, 2048], strides = [1, 1]} : vector<16x2048xf32> to vector<8x2048xf32>
    %bitcast_convert_type3A_21 = tpu.bitcast %slice3A : vector<8x2048xf32> -> vector<8x2048xi32>
    %shift_right_arithmetic3A = arith.constant 13 : i32
    %shift_right_arithmetic3A_22 = vector.broadcast %shift_right_arithmetic3A : i32 to vector<8x2048xi32>
    %shift_right_arithmetic3A_23 = arith.shrsi %bitcast_convert_type3A_21, %shift_right_arithmetic3A_22 : vector<8x2048xi32>
    %and3A_24 = arith.constant 1 : i32
    %and3A_25 = vector.broadcast %and3A_24 : i32 to vector<8x2048xi32>
    %and3A_26 = arith.andi %shift_right_arithmetic3A_23, %and3A_25 : vector<8x2048xi32>
    %add3A = arith.constant 4095 : i32
    %add3A_27 = vector.broadcast %add3A : i32 to vector<8x2048xi32>
    %add3A_28 = arith.addi %bitcast_convert_type3A_21, %add3A_27 : vector<8x2048xi32>
    %add3A_29 = arith.addi %add3A_28, %and3A_26 : vector<8x2048xi32>
    %and3A_30 = arith.constant -8192 : i32
    %and3A_31 = vector.broadcast %and3A_30 : i32 to vector<8x2048xi32>
    %and3A_32 = arith.andi %add3A_29, %and3A_31 : vector<8x2048xi32>
    %bitcast_convert_type3A_33 = tpu.bitcast %and3A_32 : vector<8x2048xi32> -> vector<8x2048xf32>
    %swap3A = arith.constant 0 : index
    %swap3A_34 = arith.constant 0 : index
    %swap3A_35 = vector.load %arg3[%swap3A, %swap3A_34] : memref<8x2048xf32, #tpu.memory_space<vmem>>, vector<8x2048xf32>
    tpu.vector_store %arg3[%swap3A, %swap3A_34], %bitcast_convert_type3A_33 {strides = array<i32>} : memref<8x2048xf32, #tpu.memory_space<vmem>>, vector<8x2048xf32>,
    return
  }
  func.func @transform_0(%arg0: i32) -> (i32, i32) {
    %c0_i32 = arith.constant 0 : i32
    %c0_i32_0 = arith.constant 0 : i32
    %c0_i32_1 = arith.constant 0 : i32
    return %c0_i32, %c0_i32_0 : i32, i32
  }
  func.func @transform_1(%arg0: i32) -> (i32, i32) {
    %c0_i32 = arith.constant 0 : i32
    %c0_i32_0 = arith.constant 0 : i32
    return %arg0, %c0_i32 : i32, i32
  }
  func.func @transform_2(%arg0: i32) -> (i32, i32) {
    %c0_i32 = arith.constant 0 : i32
    %c0_i32_0 = arith.constant 0 : i32
    return %c0_i32, %arg0 : i32, i32
  }
}

</mosaic_0001>

<sc_bundles>
// kernel: kernel.4.cloned.1.call-start
scs
__scs_entry_jumppad:
0x0: {  	(pc) =	sbr.rel $0x88, $3  }
0x1: {  	(tag) =	ssettag $0x0;
	lr =	simm.s32 $0x1  }
0x2: {  	[smem:$0x3F9F] =	sst lr;
	_ =	strace $0xD0000000  }
0x3: {  	_ = 	snop  }
0x4: {  	_ = 	snop  }
0x5: {  	_ = 	snop  }
0x6: {  	_ = 	snop  }
0x7: {  	_ = 	snop  }
__scs_overlays_trampoline_lowered:
0x8: {  	[smem:$0x3FAE] =	sst s0  }
0x9: {  	[smem:$0x3FAF] =	sst s1  }
0xa: {  	[smem:$0x3FB0] =	sst s2  }
0xb: {  	[smem:$0x3FB1] =	sst s3  }
0xc: {  	[smem:$0x3FB2] =	sst s4  }
0xd: {  	[smem:$0x3FB3] =	sst s5  }
0xe: {  	[smem:$0x3FB4] =	sst s6  }
0xf: {  	[smem:$0x3FB5] =	sst s7  }
0x10: {  	[smem:$0x3FB6] =	sst s8  }
0x11: {  	[smem:$0x3FB7] =	sst s9;
	s0 =	simm.s32 @!p0 $0x0  }
0x12: {  	s1 =	sld [smem:$0x3F9D];
	s0 =	simm.s32 @p0 $0x1  }
0x13: {  	[smem:$0x3FB8] =	sst s0;
	s0 =	simm.s32 @!p1 $0x0  }
0x14: {  	s2 =	sld [smem:$0x3F9C];
	s0 =	simm.s32 @p1 $0x1  }
0x15: {  	[smem:$0x3FB9] =	sst s0;
	s0 =	simm.s32 @!p2 $0x0  }
0x16: {  	s3 =	sld [smem:$0x3FDB];
	s0 =	simm.s32 @p2 $0x1  }
0x17: {  	s4 =	simm.s32 $0x1BF5;
	[smem:$0x3FBB] =	sst s0  }
0x18: {  	s0 =	sld [smem:$0x3F9E];
	_ =	swait.ge [sflag:s4], $0x0  }
0x19: {  	s7 =	sld [smem:$0x3F9F]  }
0x1a: {  	s8 =	sadd.s32 $0xFFFFE003, lr  }
0x1b: {  	s9 =	sadd.s32 $0xFFFFFEF7, lr;
	s5 =	simm.s32 $0xFFFFFFFF;
	p2 =	slt.u32 s8, $0xFFFFF086  }
0x1c: {  	p1 =	slt.u32 s9, $0xF7A;
	s5 =	simm.s32 @!p2 $0x0  }
0x1d: {  	s5 =	simm.s32 @p1 $0x1;
	p0 =	seq.s32 s7, s2  }
0x1e: {  	s7 =	smul.u32 @!p0 $0xF7A, s2;
	p2 =	seq.s32 @!p0 s5, $0x0  }
0x1f: {  	s9 =	smul.u32 $0xF7A, s1;
	s8 =	simm.s32 @!p0 $0x1BF5;
	p2 =	por !p2, p0  }
0x20: {  	[sflag:s8] =	ssyncset.s32 @!p0 $0xFFFFF086;
	s6 =	sadd.s32 @!p0 s3, s7;
	s7 =	simm.s32 @!p0 $0x108  }
0x21: {  	s3 =	sadd.s32 s3, s9;
	s6 =	sadd.s32 @!p0 $0x88, s6;
	s7 =	simm.s32 @p2 $0x1082  }
0x22: {  	[simem:s7], [sflag:s8] =	dma.local @!p0 [hbm:s6], $0xF7A  }
0x23: {  	s9 =	sor.u32 $0xD0000000, s2;
	s6 =	simm.s32 $0x108;
	_ =	swait.ge @!p0 [sflag:s8], $0x0  }
0x24: {  	s3 =	sadd.s32 $0x88, s3;
	s6 =	simm.s32 @!p1 $0x1082;
	[sflag:s4] =	ssyncset.s32 $0xFFFFF086  }
0x25: {  	[simem:s6], [sflag:s4] =	dma.local [hbm:s3], $0xF7A  }
0x26: {  	[smem:$0x3F9F] =	sst s1;
	(tag) =	ssettag s2;
	_ =	strace s9  }
0x27: {  	s1 =	sld [smem:$0x3FAF]  }
0x28: {  	s2 =	sld [smem:$0x3FB0]  }
0x29: {  	s4 =	sld [smem:$0x3FB2]  }
0x2a: {  	p0 =	seq.s32 s5, $0x0;
	s5 =	sld [smem:$0x3FB3]  }
0x2b: {  	s6 =	sld [smem:$0x3FB4]  }
0x2c: {  	s7 =	sld [smem:$0x3FB5]  }
0x2d: {  	s3 =	simm.s32 $0x108;
	s8 =	sld [smem:$0x3FB6]  }
0x2e: {  	s3 =	simm.s32 @!p0 $0x1082;
	s9 =	sld [smem:$0x3FB7]  }
0x2f: {  	lr =	sadd.s32 s0, s3;
	s0 =	sld [smem:$0x3FAE]  }
0x30: {  	s3 =	sld [smem:$0x3FB1]  }
0x31: {  	[smem:$0x3FBA] =	sst s10  }
0x32: {  	s10 =	sld [smem:$0x3FB8];
	_ =	sdelay $0x3  }
0x33: {  	p0 =	seq.s32 s10, $0x1;
	s10 =	sld [smem:$0x3FBA];
	_ =	sdelay $0x3  }
0x34: {  	[smem:$0x3FBA] =	sst s10  }
0x35: {  	s10 =	sld [smem:$0x3FB9];
	_ =	sdelay $0x3  }
0x36: {  	p1 =	seq.s32 s10, $0x1;
	s10 =	sld [smem:$0x3FBA];
	_ =	sdelay $0x3  }
0x37: {  	[smem:$0x3FBA] =	sst s10  }
0x38: {  	s10 =	sld [smem:$0x3FBB]  }
0x39: {  	_ = 	snop;
	(pc) =	sbr.ind lr, $3  }
0x3a: {  	_ = 	snop  }
0x3b: {  	_ = 	snop  }
0x3c: {  	p2 =	seq.s32 s10, $0x1;
	s10 =	sld [smem:$0x3FBA]  }
0x3d: {  	_ =	shalt  }
0x3e: {  	_ =	shalt  }
0x3f: {  	_ =	shalt  }
0x40: {  	_ =	shalt  }
0x41: {  	_ =	shalt  }
0x42: {  	_ =	shalt  }
0x43: {  	_ =	shalt  }
0x44: {  	_ =	shalt  }
0x45: {  	_ =	shalt  }
0x46: {  	_ =	shalt  }
0x47: {  	_ =	shalt  }
0x48: {  	_ =	shalt  }
0x49: {  	_ =	shalt  }
0x4a: {  	_ =	shalt  }
0x4b: {  	_ =	shalt  }
0x4c: {  	_ =	shalt  }
0x4d: {  	_ =	shalt  }
0x4e: {  	_ =	shalt  }
0x4f: {  	_ =	shalt  }
0x50: {  	_ =	shalt  }
0x51: {  	_ =	shalt  }
0x52: {  	_ =	shalt  }
0x53: {  	_ =	shalt  }
0x54: {  	_ =	shalt  }
0x55: {  	_ =	shalt  }
0x56: {  	_ =	shalt  }
0x57: {  	_ =	shalt  }
0x58: {  	_ =	shalt  }
0x59: {  	_ =	shalt  }
0x5a: {  	_ =	shalt  }
0x5b: {  	_ =	shalt  }
0x5c: {  	_ =	shalt  }
0x5d: {  	_ =	shalt  }
0x5e: {  	_ =	shalt  }
0x5f: {  	_ =	shalt  }
0x60: {  	_ =	shalt  }
0x61: {  	_ =	shalt  }
0x62: {  	_ =	shalt  }
0x63: {  	_ =	shalt  }
0x64: {  	_ =	shalt  }
0x65: {  	_ =	shalt  }
0x66: {  	_ =	shalt  }
0x67: {  	_ =	shalt  }
0x68: {  	_ =	shalt  }
0x69: {  	_ =	shalt  }
0x6a: {  	_ =	shalt  }
0x6b: {  	_ =	shalt  }
0x6c: {  	_ =	shalt  }
0x6d: {  	_ =	shalt  }
0x6e: {  	_ =	shalt  }
0x6f: {  	_ =	shalt  }
0x70: {  	_ =	shalt  }
0x71: {  	_ =	shalt  }
0x72: {  	_ =	shalt  }
0x73: {  	_ =	shalt  }
0x74: {  	_ =	shalt  }
0x75: {  	_ =	shalt  }
0x76: {  	_ =	shalt  }
0x77: {  	_ =	shalt  }
0x78: {  	_ =	shalt  }
0x79: {  	_ =	shalt  }
0x7a: {  	_ =	shalt  }
0x7b: {  	_ =	shalt  }
0x7c: {  	_ =	shalt  }
0x7d: {  	_ =	shalt  }
0x7e: {  	_ =	shalt  }
0x7f: {  	_ =	shalt  }
0x80: {  	_ =	shalt  }
0x81: {  	_ =	shalt  }
0x82: {  	_ =	shalt  }
0x83: {  	_ =	shalt  }
0x84: {  	_ =	shalt  }
0x85: {  	_ =	shalt  }
0x86: {  	_ =	shalt  }
0x87: {  	_ =	shalt  }
.Lfunc_end0:
.L_simem_size_0:
called_computation_lowered:
.L_overlay_start_0:
0x88: {  	s2 =	sld [smem:$0x3FD9]  }
0x89: {  	s3 =	sld [smem:$0x3FFE];
	_ =	sdelay $0x1  }
0x8a: {  	s1 =	srdreg.scid  }
0x8b: {  	s0 =	sand.u32 $0x1, s1  }
0x8c: {  	s14 =	sshll.u32 s0, $0xA;
	s2 =	sadd.s32 s3, s2  }
0x8d: {  	s2 =	sadd.s32 s2, s14  }
0x8e: {  	[smem:$0x3FC6] =	sst s2  }
0x8f: {  	_ = 	snop  }
0x90: {  	s2 =	sld [smem:$0x3FD0];
	_ =	sdelay $0x2  }
0x91: {  	s15 =	simm.s32 $0xA;
	s4 =	simm.s32 $0x10  }
0x92: {  	[smem:s4], [sflag:s15] =	dma.local [hbm:s2], $0x1  }
0x93: {  	_ =	swait.eq [sflag:s15], $0x1  }
0x94: {  	[sflag:s15] =	ssyncset.done $0x0  }
0x95: {  	s16 =	sld [smem:$0x10];
	[sflag:s15] =	ssyncadd.s32 $0xFFFFFFFF  }
0x96: {  	s17 =	sld [smem:$0x11];
	(tm) =	ssettm $0x1  }
0x97: {  	s18 =	sld [smem:$0x3FFB];
	_ =	sdelay $0x3  }
0x98: {  	_ =	strace s18  }
0x99: {  	s4 =	sld [smem:$0x3FFC];
	_ =	sdelay $0x3  }
0x9a: {  	_ =	strace s4  }
0x9b: {  	s4 =	sld [smem:$0x3FFD];
	_ =	sdelay $0x3  }
0x9c: {  	_ =	strace s4  }
0x9d: {  	_ =	strace $0x8FFFFFFF  }
0x9e: {  	s19 =	sld [smem:$0x3FDB];
	_ =	sdelay $0x1  }
0x9f: {  	s5 =	simm.s32 $_scs_section_size  }
0xa0: {  	s6 =	simm.s32 $_size__tile_overlayer_lowered;
	s7 =	simm.s32 $_tile_overlayer_lowered  }
0xa1: {  	s22 =	simm.s32 $0x1BFF;
	s21 =	sshll.u32 s7, $0x1;
	s4 =	sadd.s32 s5, s19  }
0xa2: {  	s8 =	simm.s32 $0x0;
	s20 =	sshll.u32 s6, $0x1;
	s6 =	sadd.s32 s21, s4  }
0xa3: {  	[timem:s8], [sflag:s22] =	dma.local [hbm:s6], s20  }
0xa4: {  	_ =	swait.ge [sflag:s22], s20  }
0xa5: {  	s5 =	ssub.s32 $0x0, s20;
	[sflag:s22] =	ssyncset.done $0x0  }
0xa6: {  	[sflag:s22] =	ssyncadd.s32 s5;
	_ =	sdelay $0x1  }
0xa7: {  	s23 =	simm.s32 $0x1B8B  }
0xa8: {  	_ =	swait.ge [sflag:s23], $0x1  }
0xa9: {  	[sflag:s23] =	ssyncset.done $0x0  }
0xaa: {  	s25 =	simm.s32 $0x1B8E;
	s24 =	sld [smem:$0x3FFE];
	[sflag:s23] =	ssyncadd.s32 $0xFFFFFFFF  }
0xab: {  	s26 =	simm.s32 $execute0_lowered;
	[smem:$0x3FD2] =	sst s25  }
0xac: {  	s6 =	sshll.u32 s26, $0x1;
	_ =	strace $0x80000046;
	[dreg:$0x1] =	wrdreg $0xFFFFFFFF  }
0xad: {  	s28 =	simm.s32 $_size_execute0_lowered;
	s4 =	sadd.s32 s4, s6;
	[dreg:$0x0] =	wrdreg $0x0  }
0xae: {  	s6 =	sshll.u32 s28, $0x1;
	[dreg:$0x2] =	wrdreg s4  }
0xaf: {  	[dreg:$0x3] =	wrdreg s6  }
0xb0: {  	[dreg:$0x4] =	wrdreg $0xC0  }
0xb1: {  	_ =	task [dreg:s8], $0x5FFFF  }
0xb2: {  	[dreg:$0x1] =	wrdreg $0xFFFFFFFF  }
0xb3: {  	[dreg:$0x0] =	wrdreg $0x60  }
0xb4: {  	[dreg:$0x2] =	wrdreg s24  }
0xb5: {  	[dreg:$0x3] =	wrdreg s16  }
0xb6: {  	[dreg:$0x4] =	wrdreg s17  }
0xb7: {  	[dreg:$0x5] =	wrdreg $0x9  }
0xb8: {  	_ =	task.clear_ibuf [dreg:s8], $0x6FFFF;
	_ =	strace $0x90000046  }
0xb9: {  	s29 =	simm.s32 $0x9;
	_ =	strace $0x80000048  }
0xba: {  	_ =	swait.ge [sflag:s29], $0x1  }
0xbb: {  	[sflag:s29] =	ssyncadd.s32 $0xFFFFFFFF  }
0xbc: {  	_ =	strace $0x90000048  }
0xbd: {  	_ =	sfence  }
0xbe: {  	s30 =	sld [smem:$0x0];
	_ =	sdelay $0x2  }
0xbf: {  	s31 =	sshll.u32 s1, $0xD;
	s1 =	sshrl.u32 s1, $0x2  }
0xc0: {  	s3 =	sand.u32 $0x4000, s31;
	s1 =	sadd.s32 s1, s30  }
0xc1: {  	s0 =	sor.u32 s3, s0;
	s1 =	sshll.u32 s1, $0x11  }
0xc2: {  	s0 =	sor.u32 s1, s0  }
0xc3: {  	s0 =	sadd.s32 $0x8F2B, s0  }
0xc4: {  	[sflag:s0] =	ssyncadd.remote.s32 $0x1  }
0xc5: {  	_ =	sfence.sel $0xFFFF  }
0xc6: {  	[dreg:$0x0] =	wrdreg $0xFFFFFFFF;
	(pc) =	sbr.abs _section_cstart, $3  }
0xc7: {  	[dreg:$0x1] =	wrdreg $0xFFFFFFFF  }
0xc8: {  	_ =	task.clear_ibuf [dreg:s8], $0x2FFFF;
	_ =	strace $0x9FFFFFFF  }
0xc9: {  	(tm) =	ssettm $0x7FFFFFFF  }
tec
execute0_lowered:
.L_overlay_start_1:
0x0: {  	(tag) =	ssettag $0x1  }
0x1: {  	s3 =	rddreg [dreg:$0x0]  }
0x2: {  	s4 =	rddreg [dreg:$0x1]  }
0x3: {  	s5 =	rddreg [dreg:$0x2];
	s2 =	srdreg.scid  }
0x4: {  	s0 =	rddreg [dreg:$0x3];
	s1 =	stileid.u32;
	s11 =	simm.s32 $0x2400  }
0x5: {  	s12 =	simm.s32 $0x2800;
	s13 =	simm.s32 $0x2C00;
	s14 =	simm.s32 $0x0  }
0x6: {  	s6 =	sand.u32 $0x1, s2;
	s2 =	simm.s32 $0x0;
	s7 =	sshll.u32 s1, $0xB  }
0x7: {  	s8 =	sshll.u32 s6, $0xA;
	[smem:$0x7FF] =	sst s2;
	s6 =	ssub.s32 $0x2, s6  }
0x8: {  	s7 =	sor.u32 s8, s7;
	_ =	strace $0x80000047;
	s9 =	sshrl.u32 s6, $0x1  }
0x9: {  	s8 =	sshrl.u32 s7, $0x3;
	s7 =	sadd.s32 s7, s3;
	s9 =	ssub.s32 s6, s9  }
0xa: {  	s10 =	sadd.s32 s8, s3;
	s3 =	sadd.s32 $0xA00, s7;
	s4 =	sadd.s32 s4, s8  }
0xb: {  	s5 =	sadd.s32 s5, s8;
	s8 =	smax.u32 s9, $0x1;
	s9 =	simm.s32 $0x1  }
0xc: {  	v0 =	vimm.s32 $0x0;
	s6 =	sadd.s32 $0x8A00, s10;
	s7 =	sadd.s32 $0x9A00, s10;
	s10 =	simm.s32 $0x2000  }
.LBB2_1:
0xd: {  	[tilespmem:s2], [sflag:$0x1] =	stream.linear.gather [hbm4b:s3+s2], $0x2000, $0x38;
	[tilespmem:$0x3000] =	vst v63  }
0xe: {  	_ =	swait.ge [sflag:s9], $0x2000  }
0xf: {  	s15 =	sand.u32 $0x70, s2;
	s16 =	sand.u32 $0x1C00, s2;
	[sflag:s9] =	ssyncset.done $0x0  }
0x10: {  	s15 =	sor.u32 s15, s16;
	[sflag:s9] =	ssyncadd.s32 $0xFFFFE000  }
0x11: {  	v1 =	vld [tilespmem:s15+$0x0]  }
0x12: {  	v2 =	vld [tilespmem:s15+$0x80];
	_ =	sdelay $0x1  }
0x13: {  	v3 =	vld [tilespmem:s15+$0x100];
	_ =	sdelay $0x1  }
0x14: {  	v4 =	vld [tilespmem:s15+$0x180]  }
0x15: {  	vm1 =	vgt.f32 v2, v1;
	v6 =	vmin.f32 v2, v1  }
0x16: {  	v1 =	vmax.f32 v2, v1;
	vm0 =	vlt.f32 v6, $-Inf;
	vm2 =	vgt.f32 v6, $-Inf  }
0x17: {  	v5 =	vld [tilespmem:s15+$0x200];
	v7 =	vmax.f32 v3, v1;
	v8 =	vmin.f32 v3, v1;
	vm2 =	vmor vm2, vm0  }
0x18: {  	vm3 =	vgt.f32 v3, v1;
	v9 =	vsel vm1, $0x1, v0;
	v6 =	vnsel vm2, $0xFF800000, v6  }
0x19: {  	v2 =	vld [tilespmem:s15+$0x280];
	vm1 =	vmneg vm1;
	vm4 =	vgt.f32 v4, v7;
	vm5 =	vgt.f32 v8, v6  }
0x1a: {  	v3 =	vmax.f32 v4, v7;
	v4 =	vmin.f32 v4, v7;
	v6 =	vsel vm5, v8, v6  }
0x1b: {  	v10 =	vld [tilespmem:s15+$0x300];
	v11 =	vsel vm3, $0x2, v9;
	v9 =	vnsel vm3, $0x2, v9;
	vm6 =	vgt.f32 v4, v6  }
0x1c: {  	v7 =	vmin.f32 v5, v3;
	vm8 =	vmand vm2, vm1;
	v4 =	vsel vm6, v4, v6  }
0x1d: {  	v1 =	vld [tilespmem:s15+$0x380];
	vm2 =	vgt.f32 v5, v3;
	v8 =	vmax.f32 v5, v3;
	vm7 =	vgt.f32 v7, v4  }
0x1e: {  	vm0 =	vgt.f32 v2, v8;
	v3 =	vsel vm7, v7, v4;
	v4 =	vmin.f32 v2, v8  }
0x1f: {  	v6 =	vsel vm4, $0x3, v11;
	v7 =	vmax.f32 v2, v8;
	vm1 =	vgt.f32 v4, v3  }
0x20: {  	v5 =	vnsel vm2, $0x4, v6;
	v8 =	vmin.f32 v10, v7;
	v4 =	vsel vm1, v4, v3  }
0x21: {  	v2 =	vmax.f32 v10, v7;
	v3 =	vsel vm2, $0x4, v6;
	vm2 =	vgt.f32 v8, v4  }
0x22: {  	v13 =	vsel vm8, $0x1, v0;
	v6 =	vmin.f32 v1, v2;
	v4 =	vsel vm2, v8, v4  }
0x23: {  	s31 =	simm.s32 $0x10;
	s26 =	simm.s32 $0x20;
	s20 =	simm.s32 $0x80;
	v9 =	vsel vm5, v9, v13;
	v11 =	vnsel vm4, $0x3, v11;
	vm3 =	vgt.f32 v6, v4  }
0x24: {  	s18 =	simm.s32 $0x2010;
	s17 =	simm.s32 $0x2410;
	s24 =	simm.s32 $0x2000;
	vm4 =	vgt.f32 v10, v7;
	v8 =	vmax.f32 v1, v2;
	v4 =	vsel vm3, v6, v4  }
0x25: {  	s23 =	simm.s32 $0x2400;
	s22 =	simm.s32 $0x2800;
	s21 =	simm.s32 $0x2C00;
	v12 =	vsel vm0, $0x5, v3;
	v6 =	vsel vm6, v11, v9;
	v7 =	vsub.f32 v4, v8  }
0x26: {  	s19 =	sand.u32 $0x70, s31;
	s16 =	simm.s32 $0x2C10;
	s15 =	simm.s32 $0x2810;
	v6 =	vsel vm7, v5, v6;
	v5 =	vnsel vm4, $0x6, v12;
	v4 =	vsel vm4, $0x6, v12  }
.LBB2_2:
0x27: {  	s25 =	smov.u32 s26  }
0x28: {  	s28 =	sand.u32 $0x70, s26;
	s29 =	sand.u32 $0x1C00, s20;
	v7 =	vmul.f32 $1.442695020e+00, v7;
	s25 =	sadd.s32 $0x10, s26  }
0x29: {  	p0 =	sne.s32 s26, $0x3F0;
	s26 =	sor.u32 s19, s29;
	s19 =	smov.u32 s28  }
0x2a: {  	(erf) = vpow2.f32 v7;
	_ =	sdelay $0x8  }
0x2b: {  	v7 =	vpop (erf)  }
0x2c: {  	v8 =	vadd.f32 $1.000000000e+00, v7;
	_ =	sdelay $0x1  }
0x2d: {  	(erf) = vrcp.f32 v8;
	_ =	sdelay $0x8  }
0x2e: {  	v8 =	vpop (erf)  }
0x2f: {  	v3 =	vnsel vm0, $0x5, v3;
	[tilespmem:s24+$0x0] =	vst v8;
	v7 =	vmul.f32 v8, v7;
	s24 =	smov.u32 s18  }
0x30: {  	vm0 =	vgt.f32 v1, v2;
	v3 =	vsel vm1, v3, v6  }
0x31: {  	v2 =	vnsel vm0, $0x7, v4;
	v1 =	vsel vm2, v5, v3;
	v3 =	vsel vm0, $0x7, v4;
	[tilespmem:s23+$0x0] =	vst v7;
	s23 =	smov.u32 s17  }
0x32: {  	v1 =	vsel vm3, v2, v1;
	[tilespmem:s22+$0x0] =	vst v3;
	s22 =	smov.u32 s15  }
0x33: {  	[tilespmem:s21+$0x0] =	vst v1;
	s21 =	smov.u32 s16  }
0x34: {  	v1 =	vld [tilespmem:s26+$0x0]  }
0x35: {  	v2 =	vld [tilespmem:s26+$0x80]  }
0x36: {  	v3 =	vld [tilespmem:s26+$0x100]  }
0x37: {  	v4 =	vld [tilespmem:s26+$0x180]  }
0x38: {  	v5 =	vld [tilespmem:s26+$0x200]  }
0x39: {  	v6 =	vld [tilespmem:s26+$0x280]  }
0x3a: {  	vm1 =	vgt.f32 v2, v1;
	v7 =	vmin.f32 v2, v1;
	v2 =	vmax.f32 v2, v1  }
0x3b: {  	vm0 =	vlt.f32 v7, $-Inf;
	vm2 =	vgt.f32 v7, $-Inf;
	v8 =	vmax.f32 v3, v2  }
0x3c: {  	v9 =	vmin.f32 v3, v2;
	vm2 =	vmor vm2, vm0;
	vm4 =	vgt.f32 v4, v8;
	v1 =	vld [tilespmem:s26+$0x380]  }
0x3d: {  	vm3 =	vgt.f32 v3, v2;
	v2 =	vmax.f32 v4, v8;
	v7 =	vnsel vm2, $0xFF800000, v7  }
0x3e: {  	v3 =	vmin.f32 v4, v8;
	v4 =	vmin.f32 v5, v2;
	vm5 =	vgt.f32 v9, v7  }
0x3f: {  	v8 =	vsel vm1, $0x1, v0;
	v7 =	vsel vm5, v9, v7;
	v9 =	vmax.f32 v5, v2;
	v10 =	vld [tilespmem:s26+$0x300]  }
0x40: {  	v11 =	vsel vm3, $0x2, v8;
	vm6 =	vgt.f32 v3, v7;
	vm0 =	vgt.f32 v6, v9  }
0x41: {  	vm1 =	vmneg vm1;
	v12 =	vsel vm4, $0x3, v11;
	v3 =	vsel vm6, v3, v7  }
0x42: {  	vm8 =	vmand vm2, vm1;
	vm2 =	vgt.f32 v5, v2;
	vm7 =	vgt.f32 v4, v3  }
0x43: {  	v5 =	vnsel vm2, $0x4, v12;
	v2 =	vsel vm7, v4, v3;
	v3 =	vmin.f32 v6, v9  }
0x44: {  	v4 =	vmax.f32 v6, v9;
	vm1 =	vgt.f32 v3, v2  }
0x45: {  	v7 =	vmin.f32 v10, v4;
	v6 =	vsel vm1, v3, v2;
	v2 =	vmax.f32 v10, v4  }
0x46: {  	v3 =	vsel vm2, $0x4, v12;
	vm2 =	vgt.f32 v7, v6;
	v9 =	vmin.f32 v1, v2  }
.Ltmp0:
0x47: {  	v12 =	vsel vm0, $0x5, v3;
	v6 =	vsel vm2, v7, v6;
	v7 =	vmax.f32 v1, v2;
	(pc) =	sbr.rel @p0 .LBB2_2-.Ltmp0, $4  }
0x48: {  	v8 =	vnsel vm3, $0x2, v8;
	v13 =	vsel vm8, $0x1, v0;
	vm3 =	vgt.f32 v9, v6  }
0x49: {  	v11 =	vnsel vm4, $0x3, v11;
	v8 =	vsel vm5, v8, v13;
	v6 =	vsel vm3, v9, v6  }
0x4a: {  	s20 =	sadd.s32 $0x80, s20;
	s15 =	sadd.s32 $0x10, s15;
	s16 =	sadd.s32 $0x10, s16;
	v8 =	vsel vm6, v11, v8;
	vm4 =	vgt.f32 v10, v4;
	v7 =	vsub.f32 v6, v7  }
0x4b: {  	s18 =	sadd.s32 $0x10, s18;
	s17 =	sadd.s32 $0x10, s17;
	s26 =	smov.u32 s25;
	v4 =	vsel vm4, $0x6, v12;
	v6 =	vsel vm7, v5, v8;
	v5 =	vnsel vm4, $0x6, v12  }
0x4c: {  	v7 =	vmul.f32 $1.442695020e+00, v7;
	_ =	sdelay $0x1  }
0x4d: {  	(erf) = vpow2.f32 v7;
	_ =	sdelay $0x8  }
0x4e: {  	v7 =	vpop (erf)  }
0x4f: {  	v8 =	vadd.f32 $1.000000000e+00, v7;
	_ =	sdelay $0x1  }
0x50: {  	(erf) = vrcp.f32 v8;
	_ =	sdelay $0x8  }
0x51: {  	v8 =	vpop (erf)  }
0x52: {  	v3 =	vnsel vm0, $0x5, v3;
	v7 =	vmul.f32 v8, v7  }
0x53: {  	vm11 =	vgt.f32 v1, v2;
	v3 =	vsel vm1, v3, v6;
	[tilespmem:s24+$0x0] =	vst v8  }
0x54: {  	v2 =	vnsel vm11, $0x7, v4;
	v1 =	vsel vm2, v5, v3;
	v3 =	vsel vm11, $0x7, v4;
	[tilespmem:s23+$0x0] =	vst v7  }
0x55: {  	s20 =	sand.u32 $0x1C00, s20;
	v1 =	vsel vm3, v2, v1;
	[tilespmem:s22+$0x0] =	vst v3  }
0x56: {  	s19 =	sor.u32 s19, s20;
	[tilespmem:s21+$0x0] =	vst v1  }
0x57: {  	v1 =	vld [tilespmem:s19+$0x0]  }
0x58: {  	v2 =	vld [tilespmem:s19+$0x80];
	_ =	sdelay $0x2  }
0x59: {  	v3 =	vld [tilespmem:s19+$0x100];
	_ =	sdelay $0x1  }
0x5a: {  	v51 =	vld [tilespmem:s19+$0x180];
	v52 =	vmin.f32 v2, v1  }
0x5b: {  	vm12 =	vlt.f32 v52, $-Inf;
	vm13 =	vgt.f32 v52, $-Inf  }
0x5c: {  	v53 =	vld [tilespmem:s19+$0x200];
	v54 =	vmax.f32 v2, v1;
	vm5 =	vmor vm13, vm12  }
0x5d: {  	v55 =	vmin.f32 v3, v54;
	v5 =	vnsel vm5, $0xFF800000, v52  }
0x5e: {  	v9 =	vld [tilespmem:s19+$0x280];
	v10 =	vmax.f32 v3, v54;
	vm0 =	vgt.f32 v55, v5  }
0x5f: {  	v11 =	vmin.f32 v51, v10;
	v5 =	vsel vm0, v55, v5  }
0x60: {  	v12 =	vld [tilespmem:s19+$0x300];
	v56 =	vmax.f32 v51, v10;
	vm2 =	vgt.f32 v11, v5  }
0x61: {  	v13 =	vmin.f32 v53, v56;
	v5 =	vsel vm2, v11, v5  }
0x62: {  	v57 =	vld [tilespmem:s19+$0x380];
	v14 =	vmax.f32 v53, v56;
	vm6 =	vgt.f32 v13, v5  }
0x63: {  	v58 =	vmin.f32 v9, v14;
	v5 =	vsel vm6, v13, v5  }
0x64: {  	v15 =	vmax.f32 v9, v14;
	vm1 =	vgt.f32 v58, v5  }
0x65: {  	v59 =	vmin.f32 v12, v15;
	v5 =	vsel vm1, v58, v5  }
0x66: {  	v16 =	vmax.f32 v12, v15;
	vm4 =	vgt.f32 v59, v5  }
0x67: {  	v60 =	vmin.f32 v57, v16;
	v5 =	vsel vm4, v59, v5  }
0x68: {  	vm3 =	vgt.f32 v60, v5  }
0x69: {  	v61 =	vmax.f32 v57, v16;
	v5 =	vsel vm3, v60, v5  }
0x6a: {  	v5 =	vsub.f32 v5, v61;
	_ =	sdelay $0x1  }
0x6b: {  	v5 =	vmul.f32 $1.442695020e+00, v5;
	_ =	sdelay $0x1  }
0x6c: {  	(erf) = vpow2.f32 v5;
	_ =	sdelay $0x8  }
0x6d: {  	v5 =	vpop (erf)  }
0x6e: {  	v62 =	vadd.f32 $1.000000000e+00, v5;
	_ =	sdelay $0x1  }
0x6f: {  	(erf) = vrcp.f32 v62  }
0x70: {  	vm7 =	vgt.f32 v2, v1  }
0x71: {  	vm8 =	vmneg vm7  }
0x72: {  	v1 =	vsel vm7, $0x1, v0;
	vm14 =	vgt.f32 v3, v54;
	vm15 =	vgt.f32 v51, v10  }
0x73: {  	v2 =	vsel vm14, $0x2, v1;
	v1 =	vnsel vm14, $0x2, v1;
	vm5 =	vmand vm5, vm8  }
0x74: {  	v4 =	vsel vm15, $0x3, v2;
	vm13 =	vgt.f32 v53, v56;
	v3 =	vsel vm5, $0x1, v0  }
0x75: {  	v1 =	vsel vm0, v1, v3;
	v3 =	vnsel vm13, $0x4, v4  }
0x76: {  	v2 =	vnsel vm15, $0x3, v2  }
0x77: {  	vm12 =	vgt.f32 v9, v14;
	v4 =	vsel vm13, $0x4, v4;
	v1 =	vsel vm2, v2, v1  }
0x78: {  	vm14 =	vgt.f32 v12, v15;
	vm15 =	vgt.f32 v57, v16;
	v1 =	vsel vm6, v3, v1;
	v3 =	vpop (erf)  }
0x79: {  	v2 =	vsel vm12, $0x5, v4;
	v4 =	vnsel vm12, $0x5, v4;
	v5 =	vmul.f32 v3, v5  }
0x7a: {  	v63 =	vnsel vm14, $0x6, v2;
	v2 =	vsel vm14, $0x6, v2;
	v1 =	vsel vm1, v4, v1;
	[tilespmem:s18+$0x0] =	vst v3  }
0x7b: {  	v1 =	vsel vm4, v63, v1;
	v3 =	vnsel vm15, $0x7, v2;
	v2 =	vsel vm15, $0x7, v2;
	[tilespmem:s17+$0x0] =	vst v5  }
0x7c: {  	v1 =	vsel vm3, v3, v1;
	[tilespmem:s15+$0x0] =	vst v2  }
0x7d: {  	[tilespmem:s16+$0x0] =	vst v1  }
0x7e: {  	[hbm4b:s4+s2] =	stream.linear.scatter [tilespmem:s10], [sflag:$0x1], $0x400, $0x38;
	[tilespmem:$0x3000] =	vst v63  }
0x7f: {  	_ =	swait.ge [sflag:s9], $0x400  }
0x80: {  	[sflag:s9] =	ssyncset.done $0x0  }
0x81: {  	[sflag:s9] =	ssyncadd.s32 $0xFFFFFC00  }
0x82: {  	[hbm4b:s5+s2] =	stream.linear.scatter [tilespmem:s11], [sflag:$0x1], $0x400, $0x38;
	[tilespmem:$0x3000] =	vst v63  }
0x83: {  	_ =	swait.ge [sflag:s9], $0x400  }
0x84: {  	[sflag:s9] =	ssyncset.done $0x0  }
0x85: {  	[sflag:s9] =	ssyncadd.s32 $0xFFFFFC00  }
0x86: {  	[hbm4b:s6+s2] =	stream.linear.scatter [tilespmem:s12], [sflag:$0x1], $0x400, $0x38;
	[tilespmem:$0x3000] =	vst v63  }
0x87: {  	s14 =	sadd.s32 $0x1, s14;
	_ =	swait.ge [sflag:s9], $0x400  }
0x88: {  	p0 =	sne.s32 s14, s8;
	[sflag:s9] =	ssyncset.done $0x0  }
.Ltmp1:
0x89: {  	[sflag:s9] =	ssyncadd.s32 $0xFFFFFC00;
	(pc) =	sbr.rel @p0 .LBB2_1-.Ltmp1, $4  }
0x8a: {  	[hbm4b:s7+s2] =	stream.linear.scatter [tilespmem:s13], [sflag:$0x1], $0x400, $0x38;
	[tilespmem:$0x3000] =	vst v63  }
0x8b: {  	_ =	swait.ge [sflag:s9], $0x400  }
0x8c: {  	[sflag:s9] =	ssyncset.done $0x0  }
0x8d: {  	[sflag:s9] =	ssyncadd.s32 $0xFFFFFC00  }
0x8e: {  	_ =	sfence.sel $0x180000  }
0x8f: {  	[bflag:$0x0] =	sbarrier.arrive $0xFFFF  }
0x90: {  	p0 =	sne.s32 s1, $0x0;
	_ =	strace $0x90000047  }
0x91: {  	s0 =	sadd.s32 @!p0 $0x100000, s0;
	[bflag:$0x2] =	sbarrier.arrive $0xFFFF  }
0x92: {  	[sflag:s0] =	ssyncadd.tile.s32 @!p0 $0x1;
	_ =	shalt  }
.Lfunc_end2:
_tile_overlayer_lowered:
.L_overlay_start_2:
0x93: {  	(tag) =	ssettag $0x2  }
0x94: {  	s0 =	rddreg [dreg:$0x0];
	s2 =	stileid.u32  }
0x95: {  	s1 =	rddreg [dreg:$0x1];
	p0 =	sne.s32 s2, $0x0  }
0x96: {  	s3 =	rddreg [dreg:$0x2];
	[bflag:$0x3] =	sbarrier.arrive $0xFFFF;
	s2 =	simm.s32 @!p0 $0x1C01  }
0x97: {  	[timem:s3], [sflag:s2] =	dma.local @!p0 [hbm:s0], s1  }
0x98: {  	s0 =	simm.s32 @!p0 $0x1  }
0x99: {  	_ =	swait.ge @!p0 [sflag:s0], s1  }
0x9a: {  	s1 =	ssub.s32 @!p0 $0x0, s1;
	[sflag:s0] =	ssyncset.done @!p0 $0x0  }
0x9b: {  	[sflag:s0] =	ssyncadd.s32 @!p0 s1  }
0x9c: {  	[bflag:$0x3] =	sbarrier.arrive $0xFFFF  }
0x9d: {  	_ =	shalt  }

</sc_bundles>
